<compile_context>
chip_gen: v7x
topology: tpu7x:2x2x1
jax: 0.10.2.dev20260603
libtpu: 0.0.44.dev20260713+nightly
codegen_flags: <defaults>
</compile_context>

<pallas_src>
import jax
import jax.numpy as jnp
from jax import lax
from jax.experimental import pallas as pl
from jax.experimental.pallas import tpu as pltpu
from jax.experimental.pallas import tpu_sc as plsc


_NC, _NS = 2, 16


def _sc_gather(emb, ids):
    n = ids.shape[0]
    v, d = emb.shape
    half = n // _NC

    @pl.kernel(
        out_type=jax.ShapeDtypeStruct((n, d), emb.dtype),
        mesh=plsc.ScalarSubcoreMesh(axis_name="c", num_cores=_NC),
        scratch_types=[
            pltpu.SMEM((n,), jnp.int32),
            pltpu.SemaphoreType.DMA,
            pltpu.SemaphoreType.DMA,
        ],
        compiler_params=pltpu.CompilerParams(use_tc_tiling_on_sc=True),
    )
    def gather_kernel(table_hbm, idx_hbm, out_hbm, idx_s, isem, sem):
        core = lax.axis_index("c")
        base = core * half
        pltpu.async_copy(idx_hbm, idx_s, isem).wait()

        @pl.loop(0, half)
        def _issue(i):
            j = base + i
            pltpu.async_copy(table_hbm.at[idx_s[j]], out_hbm.at[j], sem)

        @pl.loop(0, half)
        def _drain(i):
            pltpu.make_async_copy(
                table_hbm.at[0], out_hbm.at[base], sem
            ).wait()

    return gather_kernel(emb, ids)


def _proj_kernel(x_ref, w_ref, b_ref, o_ref):
    o_ref[...] = (
        lax.dot_general(
            x_ref[...],
            w_ref[...],
            (((1,), (1,)), ((), ())),
            preferred_element_type=jnp.float32,
        )
        + b_ref[...]
    )


def _tc_project(x, W, b2d, block_v):
    n, d = x.shape
    v = W.shape[0]
    grid = pl.cdiv(v, block_v)
    return pl.pallas_call(
        _proj_kernel,
        grid=(grid,),
        in_specs=[
            pl.BlockSpec((n, d), lambda i: (0, 0)),
            pl.BlockSpec((block_v, d), lambda i: (i, 0)),
            pl.BlockSpec((1, block_v), lambda i: (0, i)),
        ],
        out_specs=pl.BlockSpec((n, block_v), lambda i: (0, i)),
        out_shape=jax.ShapeDtypeStruct((n, v), jnp.float32),
    )(x, W, b2d)


def kernel(input_ids, emb, W, b):
    bsz, seq = input_ids.shape
    n = bsz * seq
    ids = input_ids.reshape(n).astype(jnp.int32)
    x = jax.lax.slice(emb, (0, 0), (n, emb.shape[1]))
    logits = _tc_project(x, W, b.reshape(1, -1), block_v=2048)
    return logits.reshape(bsz, seq, W.shape[0])

# --- scband reference (transcript-rebuilt; emitter-appended) ---
"""Pipeline reference for scband-tiny-toy-model-32349693674167 (READ-ONLY COPY).

The authoritative reference and input builder live on the scoring server;
editing this copy changes nothing except your own understanding.
"""

import jax, jax.numpy as jnp
import numpy as np

VOCAB = 100000
D_MODEL = 32
B, S = 4, 128

def setup_inputs(seed: int = 0) -> dict:
    key = jax.random.key(seed)
    k1, k2, k3, k4 = jax.random.split(key, 4)
    input_ids = jax.random.randint(k1, (B, S), 0, VOCAB, dtype=jnp.int64 if jax.config.jax_enable_x64 else jnp.int32)
    emb = jax.random.normal(k2, (VOCAB, D_MODEL), dtype=jnp.float32)
    W = jax.random.normal(k3, (VOCAB, D_MODEL), dtype=jnp.float32) * (1.0 / np.sqrt(D_MODEL))
    b = jax.random.normal(k4, (VOCAB,), dtype=jnp.float32) * 0.01
    return {"input_ids": input_ids, "emb": emb, "W": W, "b": b}

def reference(input_ids, emb, W, b):
    # x = embedding(input_ids): [B, S, d_model]
    x = jnp.take(emb, input_ids, axis=0)
    # logits = x @ W.T + b : [B, S, vocab]
    logits = jnp.einsum('bsd,vd->bsv', x, W) + b
    return logits

if __name__ == "__main__":
    import jax
    _d = setup_inputs()
    print(jax.jit(kernel)(*tuple(_d.values())))

</pallas_src>

<mosaic_0001>
module attributes {stable_mosaic.version = 14 : i64} {
  func.func @_proj_kernel(%arg0: i32, %arg1: memref<512x32xf32, #tpu.memory_space<vmem>>, %arg2: memref<2048x32xf32, #tpu.memory_space<vmem>>, %arg3: memref<1x2048xf32, #tpu.memory_space<vmem>>, %arg4: memref<512x2048xf32, #tpu.memory_space<vmem>>) attributes {dimension_semantics = [#tpu.dimension_semantics<arbitrary>], iteration_bounds = array<i64: 49>, scalar_prefetch = 0 : i64, scratch_operands = 0 : i64, tpu.core_type = #tpu.core_type<tc>, window_params = [{pipeline_mode = #tpu.pipeline_mode<synchronous>, transform_indices = @transform_0, window_bounds = array<i64: 512, 32>}, {transform_indices = @transform_1, window_bounds = array<i64: 2048, 32>}, {transform_indices = @transform_2, window_bounds = array<i64: 1, 2048>}, {transform_indices = @transform_3, window_bounds = array<i64: 512, 2048>}]} {
    %get3A = arith.constant 0 : index
    %get3A_0 = arith.constant 0 : index
    %get3A_1 = vector.load %arg1[%get3A, %get3A_0] : memref<512x32xf32, #tpu.memory_space<vmem>>, vector<512x32xf32>
    %get3A_2 = arith.constant 0 : index
    %get3A_3 = arith.constant 0 : index
    %get3A_4 = vector.load %arg2[%get3A_2, %get3A_3] : memref<2048x32xf32, #tpu.memory_space<vmem>>, vector<2048x32xf32>
    %dot_general3A = arith.constant dense<0.000000e+00> : vector<512x2048xf32>
    %dot_general3A_5 = tpu.matmul %get3A_1, %get3A_4, %dot_general3A {dimension_numbers = #tpu.dot_dimension_numbers<[1], [1], [0], [0], [0, 0, 1, 0], [], []>, transpose_lhs_hint = false} : vector<512x32xf32>, vector<2048x32xf32>, vector<512x2048xf32> -> vector<512x2048xf32>
    %get3A_6 = arith.constant 0 : index
    %get3A_7 = arith.constant 0 : index
    %get3A_8 = vector.load %arg3[%get3A_6, %get3A_7] : memref<1x2048xf32, #tpu.memory_space<vmem>>, vector<1x2048xf32>
    %add3A = vector.broadcast %get3A_8 : vector<1x2048xf32> to vector<512x2048xf32>
    %add3A_9 = arith.addf %dot_general3A_5, %add3A : vector<512x2048xf32>
    %swap3A = arith.constant 0 : index
    %swap3A_10 = arith.constant 0 : index
    %swap3A_11 = vector.load %arg4[%swap3A, %swap3A_10] : memref<512x2048xf32, #tpu.memory_space<vmem>>, vector<512x2048xf32>
    tpu.vector_store %arg4[%swap3A, %swap3A_10], %add3A_9 {strides = array<i32>} : memref<512x2048xf32, #tpu.memory_space<vmem>>, vector<512x2048xf32>,
    return
  }
  func.func @transform_0(%arg0: i32) -> (i32, i32) {
    %c0_i32 = arith.constant 0 : i32
    %c0_i32_0 = arith.constant 0 : i32
    %c0_i32_1 = arith.constant 0 : i32
    return %c0_i32, %c0_i32_0 : i32, i32
  }
  func.func @transform_1(%arg0: i32) -> (i32, i32) {
    %c0_i32 = arith.constant 0 : i32
    %c0_i32_0 = arith.constant 0 : i32
    return %arg0, %c0_i32 : i32, i32
  }
  func.func @transform_2(%arg0: i32) -> (i32, i32) {
    %c0_i32 = arith.constant 0 : i32
    %c0_i32_0 = arith.constant 0 : i32
    return %c0_i32, %arg0 : i32, i32
  }
  func.func @transform_3(%arg0: i32) -> (i32, i32) {
    %c0_i32 = arith.constant 0 : i32
    %c0_i32_0 = arith.constant 0 : i32
    return %c0_i32, %arg0 : i32, i32
  }
}

</mosaic_0001>

<sc_bundles>
// kernel: sparse-core-data-format-call.cloned.1.call-start
scs
called_computation_lowered:
.L_overlay_start_0:
0x0: {  	s2 =	sld [smem:$0x3FD9]  }
0x1: {  	s3 =	sld [smem:$0x3FFE];
	_ =	sdelay $0x1  }
0x2: {  	s1 =	srdreg.scid  }
0x3: {  	s0 =	sand.u32 $0x1, s1  }
0x4: {  	s18 =	sshll.u32 s0, $0xA;
	s2 =	sadd.s32 s3, s2  }
0x5: {  	s2 =	sadd.s32 s2, s18  }
0x6: {  	[smem:$0x3FC5] =	sst s2  }
0x7: {  	_ = 	snop  }
0x8: {  	s2 =	sld [smem:$0x3FD0];
	(tm) =	ssettm $0x1  }
0x9: {  	s19 =	sld [smem:$0x3FFB];
	_ =	sdelay $0x3  }
0xa: {  	_ =	strace s19  }
0xb: {  	s3 =	sld [smem:$0x3FFC];
	_ =	sdelay $0x3  }
0xc: {  	_ =	strace s3  }
0xd: {  	s3 =	sld [smem:$0x3FFD];
	_ =	sdelay $0x3  }
0xe: {  	_ =	strace s3  }
0xf: {  	_ =	strace $0x8FFFFFFF  }
0x10: {  	s20 =	sld [smem:$0x3FDB];
	_ =	sdelay $0x1  }
0x11: {  	s4 =	simm.s32 $_scs_section_size  }
0x12: {  	s5 =	simm.s32 $_size__tile_overlayer_lowered;
	s6 =	simm.s32 $_tile_overlayer_lowered  }
0x13: {  	s23 =	simm.s32 $0x1BFF;
	s22 =	sshll.u32 s6, $0x1;
	s3 =	sadd.s32 s4, s20  }
0x14: {  	s7 =	simm.s32 $0x0;
	s21 =	sshll.u32 s5, $0x1;
	s5 =	sadd.s32 s22, s3  }
0x15: {  	[timem:s7], [sflag:s23] =	dma.local [hbm:s5], s21  }
0x16: {  	_ =	swait.ge [sflag:s23], s21  }
0x17: {  	s4 =	ssub.s32 $0x0, s21;
	[sflag:s23] =	ssyncset.done $0x0  }
0x18: {  	[sflag:s23] =	ssyncadd.s32 s4;
	_ =	sdelay $0x1  }
0x19: {  	s24 =	simm.s32 $0x1B8B  }
0x1a: {  	_ =	swait.ge [sflag:s24], $0x1  }
0x1b: {  	[sflag:s24] =	ssyncset.done $0x0  }
0x1c: {  	s26 =	simm.s32 $0x1B8E;
	s25 =	sld [smem:$0x3FFE];
	[sflag:s24] =	ssyncadd.s32 $0xFFFFFFFF  }
0x1d: {  	s27 =	simm.s32 $execute0_lowered;
	[smem:$0x3FD2] =	sst s26  }
0x1e: {  	s5 =	sshll.u32 s27, $0x1;
	_ =	strace $0x80000046;
	[dreg:$0x1] =	wrdreg $0xFFFFFFFF  }
0x1f: {  	s28 =	simm.s32 $_size_execute0_lowered;
	s3 =	sadd.s32 s3, s5;
	[dreg:$0x0] =	wrdreg $0x0  }
0x20: {  	s5 =	sshll.u32 s28, $0x1;
	[dreg:$0x2] =	wrdreg s3  }
0x21: {  	[dreg:$0x3] =	wrdreg s5  }
0x22: {  	[dreg:$0x4] =	wrdreg $0xC0  }
0x23: {  	_ =	task [dreg:s7], $0x5FFFF  }
0x24: {  	[dreg:$0x1] =	wrdreg $0xFFFFFFFF  }
0x25: {  	[dreg:$0x0] =	wrdreg $0x60  }
0x26: {  	[dreg:$0x2] =	wrdreg s25  }
0x27: {  	[dreg:$0x3] =	wrdreg s2  }
0x28: {  	[dreg:$0x4] =	wrdreg $0x9  }
0x29: {  	_ =	task.clear_ibuf [dreg:s7], $0x5FFFF;
	_ =	strace $0x90000046  }
0x2a: {  	s29 =	simm.s32 $0x9;
	_ =	strace $0x80000048  }
0x2b: {  	_ =	swait.ge [sflag:s29], $0x1  }
0x2c: {  	[sflag:s29] =	ssyncadd.s32 $0xFFFFFFFF  }
0x2d: {  	_ =	strace $0x90000048  }
0x2e: {  	_ =	sfence  }
0x2f: {  	s30 =	sld [smem:$0x0];
	_ =	sdelay $0x2  }
0x30: {  	s31 =	sshll.u32 s1, $0xD;
	s1 =	sshrl.u32 s1, $0x2  }
0x31: {  	s3 =	sand.u32 $0x4000, s31;
	s1 =	sadd.s32 s1, s30  }
0x32: {  	s0 =	sor.u32 s3, s0;
	s1 =	sshll.u32 s1, $0x11  }
0x33: {  	s0 =	sor.u32 s1, s0  }
0x34: {  	s0 =	sadd.s32 $0x8F2B, s0  }
0x35: {  	[sflag:s0] =	ssyncadd.remote.s32 $0x1  }
0x36: {  	_ =	sfence.sel $0xFFFF  }
0x37: {  	[dreg:$0x0] =	wrdreg $0xFFFFFFFF;
	(pc) =	sbr.abs _section_cstart, $3  }
0x38: {  	[dreg:$0x1] =	wrdreg $0xFFFFFFFF  }
0x39: {  	_ =	task.clear_ibuf [dreg:s7], $0x2FFFF;
	_ =	strace $0x9FFFFFFF  }
0x3a: {  	(tm) =	ssettm $0x7FFFFFFF  }
0x3b: {  	_ =	shalt  }
tec
execute0_lowered:
.L_overlay_start_1:
0x0: {  	(tag) =	ssettag $0x1  }
0x1: {  	s4 =	rddreg [dreg:$0x0];
	s0 =	stileid.u32  }
0x2: {  	s1 =	srdreg.scid;
	s2 =	rddreg [dreg:$0x1]  }
0x3: {  	s8 =	simm.s32 $0x2;
	s17 =	simm.s32 $0x0;
	p0 =	por $0x0, $0x0  }
0x4: {  	s16 =	simm.s32 $0x0;
	s18 =	simm.s32 $0x0;
	s9 =	simm.s32 $0x0  }
0x5: {  	s10 =	simm.s32 $0x0;
	s11 =	simm.s32 $0x0;
	s13 =	simm.s32 $0x0  }
0x6: {  	s15 =	simm.s32 $0x0;
	s3 =	sshll.u32 s0, $0x5;
	s5 =	sshll.u32 s1, $0x9  }
.Ltmp0:
0x7: {  	s1 =	rddreg [dreg:$0x2];
	s3 =	sor.u32 s3, s5;
	(pc) =	sbr.rel .LBB1_1-.Ltmp0, $4  }
0x8: {  	_ =	strace $0x80000047;
	s4 =	sadd.s32 $0x400, s4;
	s3 =	sand.u32 $0x380, s3  }
0x9: {  	s7 =	sand.u32 $0x3, s0;
	s5 =	simm.s32 $0x1;
	s6 =	ssub.s32 $0x18680, s3  }
0xa: {  	s14 =	smov.u32 s7;
	[sflag:s5] =	ssyncpa.u1 $0x0;
	s6 =	sshrl.u32 s6, $0xA  }
0xb: {  	[sflag:s8] =	ssyncpa.u1 $0x0;
	s12 =	smov.u32 s3;
	s8 =	sor.u32 $0x2, s6  }
.LBB1_5:
0xc: {  	p1 =	slt.u32 s15, $0x2  }
0xd: {  	p2 =	sgt.s32 @!p1 s18, $0x3  }
0xe: {  	s19 =	smov.u32 s18;
	s20 =	sshra.s32 @!p1 s18, $0x1F;
	p2 =	por !p2, p1  }
0xf: {  	s18 =	sand.u32 @!p1 s20, s18;
	s19 =	simm.s32 @p2 $0x3  }
0x10: {  	p3 =	sgt.s32 @!p1 s17, $0x18620;
	s18 =	ssub.s32 @!p1 s19, s18  }
0x11: {  	p3 =	por !p3, p1;
	s20 =	smov.u32 s17;
	s19 =	sadd.s32 @!p1 $0xFFFFFFFD, s18  }
0x12: {  	s18 =	ssub.s32 @!p1 $0x4, s18;
	p2 =	sgt.s32 @!p1 s19, $0x0;
	s19 =	sshra.s32 @!p1 s17, $0x1F  }
0x13: {  	s17 =	sand.u32 @!p1 s19, s17;
	s19 =	ssub.s32 @!p1 $0x0, s16;
	p2 =	por !p2, p1  }
0x14: {  	s20 =	simm.s32 @p3 $0x18620;
	s16 =	smin.u32 @!p1 s16, s19;
	s18 =	simm.s32 @!p2 $0x0  }
0x15: {  	s17 =	ssub.s32 @!p1 s20, s17;
	s20 =	smov.u32 s13;
	p2 =	sgt.s32 @!p1 s16, $0x7F  }
0x16: {  	s19 =	sadd.s32 @!p1 $0xFFFE79E0, s17;
	s16 =	ssub.s32 @!p1 $0x80, s16;
	p2 =	por !p2, p1  }
0x17: {  	s17 =	ssub.s32 @!p1 $0x186A0, s17;
	p3 =	sgt.s32 @!p1 s19, $0x7F;
	s16 =	simm.s32 @!p2 $0x0  }
0x18: {  	s19 =	sadd.s32 $0x400, s12;
	p2 =	por !p3, p1;
	s16 =	smul.u32 @!p1 s18, s16  }
0x19: {  	s17 =	simm.s32 @!p2 $0x0;
	p2 =	sgt.s32 s19, $0x1869F;
	s18 =	sadd.s32 $0x80, s13  }
0x1a: {  	s21 =	smov.u32 s14;
	s20 =	smov.u32 @p2 s18  }
0x1b: {  	s16 =	smul.u32 @!p1 s17, s16;
	p3 =	sgt.s32 s20, $0x7F;
	s17 =	sadd.s32 $0x4, s14  }
0x1c: {  	p0 =	por !p0, !p0;
	s22 =	simm.s32 @!p1 $0x2;
	s21 =	smov.u32 @p3 s17  }
0x1d: {  	s19 =	smov.u32 @p2 s3;
	s18 =	smov.u32 s11;
	p2 =	sgt.s32 s21, $0x3  }
0x1e: {  	s11 =	smov.u32 s14;
	s21 =	smov.u32 @p2 s7;
	p2 =	sne.s32 s15, s8  }
.Ltmp1:
0x1f: {  	s20 =	simm.s32 @p3 $0x0;
	s17 =	smov.u32 s9;
	(pc) =	sbr.rel @!p2 .LBB1_6-.Ltmp1, $4  }
0x20: {  	s9 =	smov.u32 s12;
	s12 =	smov.u32 s19;
	s16 =	sand.u32 @!p1 $0x3FFFFFFF, s16  }
0x21: {  	_ =	swait.ge @!p1 [sflag:s22], s16;
	s23 =	ssub.s32 @!p1 $0x0, s16;
	s16 =	smov.u32 s10  }
0x22: {  	s15 =	sadd.s32 $0x1, s15;
	s10 =	smov.u32 s13;
	[sflag:s22] =	ssyncset.done @!p1 $0x0  }
0x23: {  	s13 =	smov.u32 s20;
	s14 =	smov.u32 s21;
	[sflag:s22] =	ssyncadd.s32 @!p1 s23  }
.LBB1_1:
0x24: {  	p1 =	sgt.u32 s15, s6  }
0x25: {  	s19 =	sshrl.u32 @!p1 s13, $0x3  }
0x26: {  	s20 =	sshll.u32 @!p1 s12, $0x3;
	s19 =	smul.u32 @!p1 $0xC3800, s19  }
0x27: {  	s21 =	sshll.u32 @!p1 s13, $0x7;
	s20 =	sand.u32 @!p1 $0xFFFFFC00, s20  }
0x28: {  	s19 =	sadd.s32 @!p1 s19, s20;
	s20 =	sand.u32 @!p1 $0x380, s21  }
0x29: {  	s21 =	sand.u32 @!p1 $0x7F, s12;
	s19 =	sor.u32 @!p1 s20, s19  }
0x2a: {  	s20 =	sor.u32 @!p1 s21, s19  }
0x2b: {  	s21 =	smulhi.u32 @!p1 $0xA79C7B17, s20  }
0x2c: {  	s19 =	smulhi.u32 @!p1 $0xA79C7B17, s19  }
0x2d: {  	s21 =	sshrl.u32 @!p1 s21, $0x10  }
0x2e: {  	s19 =	sshrl.u32 @!p1 s19, $0x10;
	s21 =	smul.u32 @!p1 $0x18700, s21  }
0x2f: {  	s22 =	sxor.u32 @!p1 $0xFFFFFFFF, s15;
	s23 =	smul.u32 @!p1 $0x187000, s14;
	s19 =	sand.u32 @!p1 $0x7F, s19  }
0x30: {  	s22 =	sshll.u32 @!p1 s22, $0xE;
	s19 =	smul.u32 @!p1 $0x30E0, s19;
	s20 =	ssub.s32 @!p1 s20, s21  }
0x31: {  	s21 =	sand.u32 @!p1 $0x4000, s22;
	s22 =	sadd.s32 @!p1 s4, s23;
	s23 =	sand.u32 @!p1 $0x7, s20  }
0x32: {  	s20 =	sshrl.u32 @!p1 s20, $0x3;
	s19 =	sadd.s32 @!p1 s19, s22;
	s22 =	sshll.u32 @!p1 s23, $0x12  }
0x33: {  	s19 =	sadd.s32 @!p1 s20, s19;
	s20 =	sor.u32 @!p1 $0x400, s22;
	s22 =	simm.s32 @!p1 $0xC3800  }
0x34: {  	[tilespmem:s21], [sflag:$0x1] =	stream.strided.gather @!p1 [hbm4b:s19+s20], $0x4000, s22, s20, $0x38;
	[tilespmem:$0x10100] =	vst v63  }
0x35: {  	p1 =	seq.s32 s15, $0x0  }
0x36: {  	p2 =	sge.u32 @!p1 s15, s8  }
0x37: {  	p1 =	por p1, p2  }
.Ltmp2:
0x38: {  	_ = 	snop;
	(pc) =	sbr.rel @p1 .LBB1_5-.Ltmp2, $1  }
0x39: {  	_ =	sdelay $0x3  }
0x3a: {  	s19 =	simm.s32 $0x1  }
0x3b: {  	_ =	swait.ge [sflag:s5], $0x4000;
	s19 =	simm.s32 @!p0 $0x0  }
0x3c: {  	[sflag:s5] =	ssyncset.done $0x0;
	s20 =	sshll.u32 s19, $0xE  }
0x3d: {  	[sflag:s5] =	ssyncadd.s32 $0xFFFFC000;
	s20 =	sor.u32 $0x40, s20  }
0x3e: {  	s19 =	smul.u32 $0x10200, s19;
	v0 =	vld [tilespmem:s20+$0x30]  }
0x3f: {  	v1 =	vld [tilespmem:s20+$0xFFFFFFD0]  }
0x40: {  	s19 =	sshrl.u32 s19, $0x2;
	v5 =	vld [tilespmem:s20+$0xFFFFFFE0]  }
0x41: {  	v6 =	vld [tilespmem:s20+$0xFFFFFFF0];
	s22 =	sor.u32 $0x8000, s19  }
0x42: {  	s31 =	sand.u32 $0x1, s15;
	v4 =	vld [tilespmem:s20+$0x0];
	s21 =	sadd.s32 $0x0, s22  }
0x43: {  	v3 =	vld [tilespmem:s20+$0x10];
	s19 =	smul.u32 $0x10200, s31;
	[tilespmem:s21+$0x3870 ss:$0x81] =	vst.msk $0xffff, v0  }
0x44: {  	v2 =	vld [tilespmem:s20+$0x20];
	[tilespmem:s21+$0x810 ss:$0x81] =	vst.msk $0xffff, v1  }
0x45: {  	s19 =	sshrl.u32 s19, $0x2;
	v0 =	vld [tilespmem:s20+$0xFFFFFFC0];
	[tilespmem:s21+$0x1020 ss:$0x81] =	vst.msk $0xffff, v5;
	s20 =	sadd.s32 $0x80, s20  }
0x46: {  	s23 =	simm.s32 $0x4;
	s24 =	simm.s32 $0x8;
	s19 =	sor.u32 $0x8000, s19;
	[tilespmem:s21+$0x1830 ss:$0x81] =	vst.msk $0xffff, v6;
	v1 =	vld [tilespmem:s20+$0x30]  }
.LBB1_3:
0x47: {  	p1 =	sne.s32 s24, $0x1FC;
	v5 =	vld [tilespmem:s20+$0xFFFFFFD0];
	[tilespmem:s21+$0x2040 ss:$0x81] =	vst.msk $0xffff, v4  }
0x48: {  	v6 =	vld [tilespmem:s20+$0xFFFFFFE0];
	[tilespmem:s21+$0x2850 ss:$0x81] =	vst.msk $0xffff, v3  }
0x49: {  	s25 =	sshra.s32 s23, $0x2;
	s23 =	smov.u32 s24;
	v7 =	vld [tilespmem:s20+$0xFFFFFFF0];
	[tilespmem:s21+$0x3060 ss:$0x81] =	vst.msk $0xffff, v2  }
.Ltmp3:
0x4a: {  	v4 =	vld [tilespmem:s20+$0x0];
	[tilespmem:s21+$0x0 ss:$0x81] =	vst.msk $0xffff, v0;
	s21 =	sadd.s32 s25, s22;
	(pc) =	sbr.rel @p1 .LBB1_3-.Ltmp3, $4  }
0x4b: {  	v3 =	vld [tilespmem:s20+$0x10];
	[tilespmem:s21+$0x3870 ss:$0x81] =	vst.msk $0xffff, v1  }
0x4c: {  	[tilespmem:s21+$0x810 ss:$0x81] =	vst.msk $0xffff, v5;
	v2 =	vld [tilespmem:s20+$0x20]  }
0x4d: {  	v0 =	vld [tilespmem:s20+$0xFFFFFFC0];
	[tilespmem:s21+$0x1020 ss:$0x81] =	vst.msk $0xffff, v6;
	s20 =	sadd.s32 $0x80, s20  }
0x4e: {  	s24 =	sadd.s32 $0x4, s24;
	v1 =	vld [tilespmem:s20+$0x30];
	[tilespmem:s21+$0x1830 ss:$0x81] =	vst.msk $0xffff, v7  }
0x4f: {  	s24 =	sshll.u32 s9, $0x7  }
0x50: {  	s25 =	sshll.u32 s10, $0x3;
	p1 =	sgt.s32 s11, $0x3;
	s29 =	sshra.s32 s11, $0x1F  }
0x51: {  	s23 =	sshra.s32 s23, $0x2;
	s26 =	sand.u32 $0xFFFFFC00, s24;
	s25 =	sand.u32 $0xFFFFFC00, s25  }
0x52: {  	s28 =	ssub.s32 $0x0, s10;
	s24 =	sand.u32 $0x380, s24;
	s25 =	sadd.s32 s25, s26  }
0x53: {  	[tilespmem:s21+$0x2040 ss:$0x81] =	vst.msk $0xffff, v4;
	s22 =	sadd.s32 s23, s22;
	s24 =	sor.u32 s24, s25;
	s25 =	smov.u32 s11  }
0x54: {  	[tilespmem:s21+$0x2850 ss:$0x81] =	vst.msk $0xffff, v3;
	s26 =	sand.u32 s29, s11;
	s24 =	sshrl.u32 s24, $0x7;
	s25 =	simm.s32 @!p1 $0x3  }
0x55: {  	v5 =	vld [tilespmem:s20+$0xFFFFFFD0];
	[tilespmem:s21+$0x3060 ss:$0x81] =	vst.msk $0xffff, v2;
	s29 =	sshra.s32 s9, $0x1F;
	s27 =	smulhi.u32 $0x14F8B59, s24;
	s25 =	ssub.s32 s25, s26  }
0x56: {  	v58 =	vld [tilespmem:s20+$0xFFFFFFE0];
	[tilespmem:s21+$0x0 ss:$0x81] =	vst.msk $0xffff, v0;
	s21 =	sand.u32 s29, s9;
	s30 =	sadd.s32 $0xFFFFFFFD, s25;
	s23 =	ssub.s32 $0x4, s25  }
0x57: {  	v59 =	vld [tilespmem:s20+$0xFFFFFFF0];
	s25 =	smov.u32 s9;
	s31 =	sshrl.u32 s27, $0x9;
	p1 =	sgt.s32 s30, $0x0  }
0x58: {  	v60 =	vld [tilespmem:s20+$0x0];
	s27 =	smin.u32 s10, s28;
	s23 =	simm.s32 @p1 $0x0;
	p1 =	sgt.s32 s9, $0x18620  }
0x59: {  	v61 =	vld [tilespmem:s20+$0x10];
	[tilespmem:s22+$0x3870 ss:$0x81] =	vst.msk $0xffff, v1;
	s25 =	simm.s32 @!p1 $0x18620;
	p1 =	sgt.s32 s27, $0x7F;
	s27 =	ssub.s32 $0x80, s27  }
0x5a: {  	v62 =	vld [tilespmem:s20+$0x20];
	[tilespmem:s22+$0x810 ss:$0x81] =	vst.msk $0xffff, v5;
	s30 =	smul.u32 $0x186A0, s31;
	s21 =	ssub.s32 s25, s21;
	s27 =	simm.s32 @p1 $0x0  }
0x5b: {  	v63 =	vld [tilespmem:s20+$0xFFFFFFC0];
	[tilespmem:s22+$0x1020 ss:$0x81] =	vst.msk $0xffff, v58;
	s28 =	sshrl.u32 s10, $0x3;
	s31 =	smul.u32 s23, s27;
	s26 =	sadd.s32 $0xFFFE79E0, s21  }
0x5c: {  	[tilespmem:s22+$0x1830 ss:$0x81] =	vst.msk $0xffff, v59;
	s21 =	ssub.s32 $0x186A0, s21;
	s27 =	smul.u32 $0x186A00, s11;
	p1 =	sgt.s32 s26, $0x7F  }
.Ltmp4:
0x5d: {  	[tilespmem:s22+$0x2040 ss:$0x81] =	vst.msk $0xffff, v60;
	s29 =	sand.u32 $0xF, s28;
	s21 =	simm.s32 @p1 $0x0;
	(pc) =	sbr.rel .LBB1_5-.Ltmp4, $4  }
0x5e: {  	[tilespmem:s22+$0x2850 ss:$0x81] =	vst.msk $0xffff, v61;
	s24 =	ssub.s32 s24, s30;
	s23 =	sadd.s32 s2, s27;
	s20 =	smul.u32 s21, s31  }
0x5f: {  	[tilespmem:s22+$0x3060 ss:$0x81] =	vst.msk $0xffff, v62;
	s30 =	sshll.u32 s24, $0x4;
	s21 =	sadd.s32 s29, s23  }
0x60: {  	[tilespmem:s22+$0x0 ss:$0x81] =	vst.msk $0xffff, v63;
	s31 =	sand.u32 $0x7, s10;
	s21 =	sadd.s32 s30, s21;
	s20 =	sand.u32 $0x3FFFFFFF, s20  }
0x61: {  	[hbm4b:s21+s31] =	stream.linear.scatter [tilespmem:s19], [sflag:$0x2], s20, $0x20;
	[tilespmem:$0x10100] =	vst v63  }
.LBB1_6:
0x62: {  	_ =	sfence.sel $0x180000  }
0x63: {  	s2 =	simm.s32 $0x1;
	[bflag:$0x0] =	sbarrier.arrive $0xFFFF  }
0x64: {  	s31 =	simm.s32 $0x2;
	[sflag:s2] =	ssyncpa.u1 $0x1  }
0x65: {  	[sflag:s31] =	ssyncpa.u1 $0x1  }
0x66: {  	p0 =	sne.s32 s0, $0x0;
	_ =	strace $0x90000047  }
0x67: {  	s0 =	sadd.s32 @!p0 $0x100000, s1;
	[bflag:$0x2] =	sbarrier.arrive $0xFFFF  }
0x68: {  	[sflag:s0] =	ssyncadd.tile.s32 @!p0 $0x1;
	_ =	shalt  }
.Lfunc_end1:
_tile_overlayer_lowered:
.L_overlay_start_2:
0x69: {  	(tag) =	ssettag $0x2  }
0x6a: {  	s0 =	rddreg [dreg:$0x0];
	s2 =	stileid.u32  }
0x6b: {  	s1 =	rddreg [dreg:$0x1];
	p0 =	sne.s32 s2, $0x0  }
0x6c: {  	s3 =	rddreg [dreg:$0x2];
	[bflag:$0x3] =	sbarrier.arrive $0xFFFF;
	s2 =	simm.s32 @!p0 $0x1C01  }
0x6d: {  	[timem:s3], [sflag:s2] =	dma.local @!p0 [hbm:s0], s1  }
0x6e: {  	s0 =	simm.s32 @!p0 $0x1  }
0x6f: {  	_ =	swait.ge @!p0 [sflag:s0], s1  }
0x70: {  	s1 =	ssub.s32 @!p0 $0x0, s1;
	[sflag:s0] =	ssyncset.done @!p0 $0x0  }
0x71: {  	[sflag:s0] =	ssyncadd.s32 @!p0 s1  }
0x72: {  	[bflag:$0x3] =	sbarrier.arrive $0xFFFF  }
0x73: {  	_ =	shalt  }

</sc_bundles>
